<compile_context>
chip_gen: v7x
topology: tpu7x:2x2x1
jax: 0.10.2.dev20260603
libtpu: 0.0.44.dev20260713+nightly
codegen_flags: <defaults>
</compile_context>

<pallas_src>
import functools

import jax
import jax.numpy as jnp
from jax import lax
from jax.experimental import pallas as pl
from jax.experimental.pallas import tpu as pltpu
from jax.experimental.pallas import tpu_sc as plsc

N = 10000
E = 320000
IN_F = 128
F = 64
HF = 32
NG = 8
NP = 10240
EP = 327680
NC, NS = 2, 16
EPT = EP // NS
ROWS_IT = 8
CH = ROWS_IT * 128
N_IT = EPT // CH
RPS = NP // NS
EPT_D = EP // (NC * NS)
N_IT_D = EPT_D // CH
RB = 256
GRID = NP // RB
EPS = 1e-5
f32 = jnp.float32



def _sc_mesh():
    return plsc.VectorSubcoreMesh(core_axis_name="c", subcore_axis_name="s")


def _deg_body(ones_hbm, z_hbm, src_hbm, out_hbm, srcv, onesv, stage, acc, sem):
    c = lax.axis_index("c")
    s = lax.axis_index("s")
    w = c * NS + s
    pltpu.sync_copy(z_hbm, stage)
    pltpu.sync_copy(stage, acc.at[pl.ds(s * RPS, RPS)])
    pltpu.sync_copy(ones_hbm, onesv)
    plsc.subcore_barrier()

    @pl.loop(0, N_IT_D)
    def _(it):
        pltpu.sync_copy(src_hbm.at[w, pl.ds(it * ROWS_IT, ROWS_IT)], srcv)
        for j in range(ROWS_IT):
            pltpu.sync_copy(onesv, acc.at[srcv.at[j]], add=True)

    plsc.subcore_barrier()
    pltpu.sync_copy(acc.at[pl.ds(s * RPS, RPS)], stage)
    pltpu.sync_copy(stage, out_hbm.at[c, pl.ds(s * RPS, RPS)])


@jax.jit
def _deg_pass(ones16, z16, srci):
    kern = pl.kernel(
        _deg_body,
        out_type=jax.ShapeDtypeStruct((NC, NP, 16), f32),
        mesh=_sc_mesh(),
        compiler_params=pltpu.CompilerParams(use_tc_tiling_on_sc=False),
        scratch_types=[
            pltpu.VMEM((ROWS_IT, 128), jnp.int32),
            pltpu.VMEM((128, 16), f32),
            pltpu.VMEM((RPS, 16), f32),
            pltpu.VMEM_SHARED((NP, 16), f32),
            pltpu.SemaphoreType.DMA,
        ],
    )
    return kern(ones16, z16, srci)


HS = RPS // 4


def _conv_body(tab_hbm, cm_hbm, d2b_hbm, src_hbm, dst_hbm,
               out_hbm, gc_hbm,
               srcv0, dstv0, srcv1, dstv1, rows0, rows1, stage,
               accv, cmv, d2v, acc, gsem0, gsem1, ssem):
    c = lax.axis_index("c")
    s = lax.axis_index("s")
    srcv = (srcv0, srcv1)
    dstv = (dstv0, dstv1)
    rows = (rows0, rows1)
    gsem = (gsem0, gsem1)
    zv = jnp.zeros((16,), f32)

    @pl.loop(0, RPS)
    def _(rr):
        stage[rr, pl.ds(0, 16)] = zv
        stage[rr, pl.ds(16, 16)] = zv

    pltpu.sync_copy(stage, acc.at[pl.ds(s * RPS, RPS)])

    def scatter_sweep(t_ref):
        def load_idx(slot, itv):
            pltpu.sync_copy(src_hbm.at[s, pl.ds(itv * ROWS_IT, ROWS_IT)],
                            srcv[slot])
            pltpu.sync_copy(dst_hbm.at[s, pl.ds(itv * ROWS_IT, ROWS_IT)],
                            dstv[slot])

        def fire_gathers(slot):
            for j in range(ROWS_IT):
                pltpu.async_copy(t_ref.at[srcv[slot].at[j]],
                                 rows[slot].at[pl.ds(j * 128, 128)],
                                 gsem[slot])

        def wait_gathers(slot):
            for j in range(ROWS_IT):
                pltpu.make_async_copy(t_ref.at[srcv[slot].at[j]],
                                      rows[slot].at[pl.ds(j * 128, 128)],
                                      gsem[slot]).wait()

        load_idx(0, 0)
        fire_gathers(0)

        @pl.loop(0, N_IT, step=2)
        def _(it):
            for b in range(2):
                cur = it + b
                nb = 1 - b

                @pl.when(cur + 1 < N_IT)
                def _():
                    load_idx(nb, cur + 1)
                    fire_gathers(nb)

                wait_gathers(b)
                cps = []
                for j in range(ROWS_IT):
                    cps.append(pltpu.async_copy(
                        rows[b].at[pl.ds(j * 128, 128)],
                        acc.at[dstv[b].at[j]], ssem, add=True))
                for cp in cps:
                    cp.wait()

    plsc.subcore_barrier()
    scatter_sweep(tab_hbm.at[c])
    plsc.subcore_barrier()

    for half in range(4):
        base = s * RPS + half * HS
        pltpu.sync_copy(acc.at[pl.ds(base, HS)], accv)
        pltpu.sync_copy(cm_hbm.at[c, pl.ds(base, HS)], cmv)
        pltpu.sync_copy(d2b_hbm.at[pl.ds(base, HS)], d2v)

        @pl.loop(0, HS)
        def _(rr):
            for k in range(2):
                sl = pl.ds(k * 16, 16)
                cmv[rr, sl] = cmv[rr, sl] - d2v[rr, sl] * accv[rr, sl]

        pltpu.sync_copy(cmv, gc_hbm.at[c, pl.ds(base, HS)])

    pltpu.sync_copy(stage, acc.at[pl.ds(s * RPS, RPS)])
    plsc.subcore_barrier()
    scatter_sweep(gc_hbm.at[c])
    plsc.subcore_barrier()
    pltpu.sync_copy(acc.at[pl.ds(s * RPS, RPS)],
                    out_hbm.at[c, pl.ds(s * RPS, RPS)])


@jax.jit
def _conv_pass(tab, cm, d2b, srci, dsti):
    kern = pl.kernel(
        _conv_body,
        out_type=[jax.ShapeDtypeStruct((NC, NP, HF), f32),
                  jax.ShapeDtypeStruct((NC, NP, HF), f32)],
        mesh=_sc_mesh(),
        compiler_params=pltpu.CompilerParams(use_tc_tiling_on_sc=False),
        scratch_types=[
            pltpu.VMEM((ROWS_IT, 128), jnp.int32),
            pltpu.VMEM((ROWS_IT, 128), jnp.int32),
            pltpu.VMEM((ROWS_IT, 128), jnp.int32),
            pltpu.VMEM((ROWS_IT, 128), jnp.int32),
            pltpu.VMEM((CH, HF), f32),
            pltpu.VMEM((CH, HF), f32),
            pltpu.VMEM((RPS, HF), f32),
            pltpu.VMEM((HS, HF), f32),
            pltpu.VMEM((HS, HF), f32),
            pltpu.VMEM((HS, HF), f32),
            pltpu.VMEM_SHARED((NP, HF), f32),
            pltpu.SemaphoreType.DMA,
            pltpu.SemaphoreType.DMA,
            pltpu.SemaphoreType.DMA,
        ],
    )
    return kern(tab, cm, d2b, srci, dsti)



def _dis(degp):
    deg = degp[0, :, 0:1] + degp[1, :, 0:1]
    return jnp.where(deg > 0, lax.rsqrt(jnp.maximum(deg, 1.0)), 0.0)


def _valid(i):
    row = lax.broadcasted_iota(jnp.int32, (RB, 1), 0) + i * RB
    return row < N


def _step1_body(x_ref, b1_ref, c1_ref, degp_ref, ga_ref, cm_ref, d2b_ref,
                d0_ref):
    i = pl.program_id(0)
    d = _dis(degp_ref[...])
    v = _valid(i)
    G = jnp.dot(x_ref[...], b1_ref[...], preferred_element_type=f32, precision=lax.Precision.HIGHEST) + c1_ref[...]
    ga_ref[0] = jnp.where(v, d * G[:, 0:HF], 0.0)
    ga_ref[1] = jnp.where(v, d * G[:, HF:F], 0.0)
    cm_ref[0] = jnp.where(v, d * G[:, F:F + HF], 0.0)
    cm_ref[1] = jnp.where(v, d * G[:, F + HF:2 * F], 0.0)
    d2b_ref[...] = jnp.broadcast_to(d * d, (RB, HF))
    d0_ref[...] = jnp.where(v, G[:, 2 * F:3 * F], 0.0)


def _step5_body(d0_ref, degp_ref, sp_ref, r_ref, st_ref):
    i = pl.program_id(0)
    d = _dis(degp_ref[...])
    v = _valid(i)
    d0 = d0_ref[...]
    rl = jnp.where(v, jnp.maximum(d0[:, 0:HF] - d * sp_ref[0], 0.0), 0.0)
    rr = jnp.where(v, jnp.maximum(d0[:, HF:F] - d * sp_ref[1], 0.0), 0.0)
    r_ref[:, 0:HF] = rl
    r_ref[:, HF:F] = rr

    @pl.when(i == 0)
    def _():
        st_ref[...] = jnp.zeros((8, F), f32)

    st_ref[0:1, 0:HF] = st_ref[0:1, 0:HF] + jnp.sum(rl, axis=0, keepdims=True)
    st_ref[0:1, HF:F] = st_ref[0:1, HF:F] + jnp.sum(rr, axis=0, keepdims=True)
    st_ref[1:2, 0:HF] = st_ref[1:2, 0:HF] + jnp.sum(rl * rl, axis=0, keepdims=True)
    st_ref[1:2, HF:F] = st_ref[1:2, HF:F] + jnp.sum(rr * rr, axis=0, keepdims=True)


def _step6_body(r_ref, b2_ref, b2r_ref, degp_ref, st_ref, g_ref, b_ref,
                ga2_ref, c2d_ref, d2o_ref):
    i = pl.program_id(0)
    d = _dis(degp_ref[...])
    v = _valid(i)
    m = st_ref[0:1, :] / N
    var = st_ref[1:2, :] / N - m * m
    sv = g_ref[...] * lax.rsqrt(var + EPS)
    tv = b_ref[...] - m * sv
    h1 = jnp.where(v, r_ref[...] * sv + tv, 0.0)
    G2 = jnp.dot(h1, b2_ref[...], preferred_element_type=f32, precision=lax.Precision.HIGHEST) + b2r_ref[...]
    ga2_ref[0] = jnp.where(v, d * G2[:, 0:HF], 0.0)
    ga2_ref[1] = jnp.where(v, d * G2[:, HF:F], 0.0)
    c2d_ref[0] = jnp.where(v, d * G2[:, F:F + HF], 0.0)
    c2d_ref[1] = jnp.where(v, d * G2[:, F + HF:2 * F], 0.0)
    d2o_ref[...] = jnp.where(v, G2[:, 2 * F:3 * F], 0.0)


def _step10_body(d2o_ref, degp_ref, sp_ref, bat_ref, g_ref, b_ref,
                 wt_ref, lb_ref,
                 st_ref, ps_ref, pm_ref, pc_ref, cat_ref, out_ref):
    i = pl.program_id(0)
    d = _dis(degp_ref[...])
    v = _valid(i)
    d2o = d2o_ref[...]
    rl = jnp.where(v, jnp.maximum(d2o[:, 0:HF] - d * sp_ref[0], 0.0), 0.0)
    rr = jnp.where(v, jnp.maximum(d2o[:, HF:F] - d * sp_ref[1], 0.0), 0.0)
    bat = bat_ref[...]

    @pl.when(i == 0)
    def _():
        st_ref[...] = jnp.zeros((8, F), f32)
        ps_ref[...] = jnp.zeros((8, F), f32)
        pm_ref[...] = jnp.full((8, F), -jnp.inf, f32)
        pc_ref[...] = jnp.zeros((8, F), f32)

    st_ref[0:1, 0:HF] = st_ref[0:1, 0:HF] + jnp.sum(rl, axis=0, keepdims=True)
    st_ref[0:1, HF:F] = st_ref[0:1, HF:F] + jnp.sum(rr, axis=0, keepdims=True)
    st_ref[1:2, 0:HF] = st_ref[1:2, 0:HF] + jnp.sum(rl * rl, axis=0, keepdims=True)
    st_ref[1:2, HF:F] = st_ref[1:2, HF:F] + jnp.sum(rr * rr, axis=0, keepdims=True)
    for g in range(NG):
        mg = bat == g
        ps_ref[g:g + 1, 0:HF] = ps_ref[g:g + 1, 0:HF] + jnp.sum(
            jnp.where(mg, rl, 0.0), axis=0, keepdims=True)
        ps_ref[g:g + 1, HF:F] = ps_ref[g:g + 1, HF:F] + jnp.sum(
            jnp.where(mg, rr, 0.0), axis=0, keepdims=True)
        pm_ref[g:g + 1, 0:HF] = jnp.maximum(
            pm_ref[g:g + 1, 0:HF],
            jnp.max(jnp.where(mg, rl, -jnp.inf), axis=0, keepdims=True))
        pm_ref[g:g + 1, HF:F] = jnp.maximum(
            pm_ref[g:g + 1, HF:F],
            jnp.max(jnp.where(mg, rr, -jnp.inf), axis=0, keepdims=True))
        pc_ref[g:g + 1, :] = pc_ref[g:g + 1, :] + jnp.sum(
            jnp.where(mg, 1.0, 0.0), axis=0, keepdims=True)

    @pl.when(i == GRID - 1)
    def _():
        m2 = st_ref[0:1, :] / N
        v2 = st_ref[1:2, :] / N - m2 * m2
        sv = g_ref[...] * lax.rsqrt(v2 + EPS)
        tv = b_ref[...] - m2 * sv
        cnt = pc_ref[...]
        s_h = ps_ref[...] * sv + cnt * tv
        mx_h = pm_ref[...] * sv + tv
        mean_h = s_h / jnp.maximum(cnt, 1.0)
        cat_ref[:, 0:F] = s_h
        cat_ref[:, F:2 * F] = mean_h
        cat_ref[:, 2 * F:3 * F] = mx_h
        wt = wt_ref[...]
        out_ref[...] = (jnp.dot(s_h, wt[0:F], preferred_element_type=f32, precision=lax.Precision.HIGHEST)
                        + jnp.dot(mean_h, wt[F:2 * F], preferred_element_type=f32, precision=lax.Precision.HIGHEST)
                        + jnp.dot(mx_h, wt[2 * F:3 * F], preferred_element_type=f32, precision=lax.Precision.HIGHEST)
                        + lb_ref[...])


def _rowspec(width):
    return pl.BlockSpec((RB, width), lambda i: (i, 0))


def _fullspec(shape):
    return pl.BlockSpec(shape, lambda i: tuple(0 for _ in shape))


_SPLITSPEC = pl.BlockSpec((NC, RB, HF), lambda i: (0, i, 0))
_DEGSPEC = pl.BlockSpec((NC, RB, 16), lambda i: (0, i, 0))


def _step1(xp, B1, c1r, degp):
    return pl.pallas_call(
        _step1_body,
        grid=(GRID,),
        in_specs=[_rowspec(IN_F), _fullspec((IN_F, 192)), _fullspec((1, 192)),
                  _DEGSPEC],
        out_specs=[_SPLITSPEC, _SPLITSPEC, _rowspec(HF), _rowspec(F)],
        out_shape=[jax.ShapeDtypeStruct((NC, NP, HF), f32),
                   jax.ShapeDtypeStruct((NC, NP, HF), f32),
                   jax.ShapeDtypeStruct((NP, HF), f32),
                   jax.ShapeDtypeStruct((NP, F), f32)],
    )(xp, B1, c1r, degp)


def _step5(d0, degp, sp):
    return pl.pallas_call(
        _step5_body,
        grid=(GRID,),
        in_specs=[_rowspec(F), _DEGSPEC, _SPLITSPEC],
        out_specs=[_rowspec(F), _fullspec((8, F))],
        out_shape=[jax.ShapeDtypeStruct((NP, F), f32),
                   jax.ShapeDtypeStruct((8, F), f32)],
    )(d0, degp, sp)


def _step6(r, B2, b2r, degp, st, g, b):
    return pl.pallas_call(
        _step6_body,
        grid=(GRID,),
        in_specs=[_rowspec(F), _fullspec((F, 192)), _fullspec((1, 192)),
                  _DEGSPEC, _fullspec((8, F)), _fullspec((1, F)),
                  _fullspec((1, F))],
        out_specs=[_SPLITSPEC, _SPLITSPEC, _rowspec(F)],
        out_shape=[jax.ShapeDtypeStruct((NC, NP, HF), f32),
                   jax.ShapeDtypeStruct((NC, NP, HF), f32),
                   jax.ShapeDtypeStruct((NP, F), f32)],
    )(r, B2, b2r, degp, st, g, b)


def _step10(d2o, degp, sp, batp, g, b, wt, lb):
    return pl.pallas_call(
        _step10_body,
        grid=(GRID,),
        in_specs=[_rowspec(F), _DEGSPEC, _SPLITSPEC, _rowspec(1),
                  _fullspec((1, F)), _fullspec((1, F)),
                  _fullspec((192, 32)), _fullspec((1, 32))],
        out_specs=[_fullspec((8, F))] * 4 + [_fullspec((8, 192)),
                                            _fullspec((8, 32))],
        out_shape=[jax.ShapeDtypeStruct((8, F), f32)] * 4
        + [jax.ShapeDtypeStruct((NG, 192), f32),
           jax.ShapeDtypeStruct((NG, 32), f32)],
    )(d2o, degp, sp, batp, g, b, wt, lb)



@jax.jit
def kernel(x, edge_index, batch, sparse_mask, sm_weight, sm_bias,
           conv1_W, conv1_b, bn1_g, bn1_b, conv2_W, conv2_b, bn2_g, bn2_b,
           lin_W, lin_b):
    i32 = jnp.int32
    cols = jnp.arange(IN_F, dtype=jnp.int32)
    oh_in = (sparse_mask[:, 0:1] == cols[None, :]).astype(f32)
    oh_out = (sparse_mask[:, 1:2] == cols[None, :]).astype(f32) * sm_weight[:, None]
    M = jnp.dot(oh_in.T, oh_out, precision=lax.Precision.HIGHEST)
    Wc1 = jnp.concatenate([2.0 * conv1_W[2], conv1_W[1], conv1_W[0] - conv1_W[2]], axis=1)
    B1 = jnp.dot(M, Wc1, precision=lax.Precision.HIGHEST)
    c1r = (jnp.dot(sm_bias, Wc1, precision=lax.Precision.HIGHEST) + jnp.concatenate(
        [jnp.zeros((F,), f32), jnp.zeros((F,), f32), conv1_b]))[None, :]
    B2 = jnp.concatenate([2.0 * conv2_W[2], conv2_W[1], conv2_W[0] - conv2_W[2]], axis=1)
    b2r = jnp.concatenate([jnp.zeros((F,), f32), jnp.zeros((F,), f32), conv2_b])[None, :]
    linWT = lin_W.T
    lbr = lin_b[None, :]
    g1 = bn1_g[None, :]; b1 = bn1_b[None, :]
    g2 = bn2_g[None, :]; b2 = bn2_b[None, :]

    xp = x
    batp = jnp.concatenate([batch, jnp.full((NP - N,), NG, i32)]).reshape(NP, 1)
    srcp = jnp.concatenate([edge_index[0], jnp.full((EP - E,), N, i32)])
    dstp = jnp.concatenate([edge_index[1], jnp.full((EP - E,), N, i32)])
    srci_d = srcp.reshape(NC * NS, EPT_D // 128, 128)
    srci = srcp.reshape(NS, EPT // 128, 128)
    dsti = dstp.reshape(NS, EPT // 128, 128)
    z16 = jnp.zeros((RPS, 16), f32)
    ones16 = jnp.ones((128, 16), f32)

    degp = _deg_pass(ones16, z16, srci_d)
    ga, cm1, d2b, d0 = _step1(xp, B1, c1r, degp)
    sc, _ = _conv_pass(ga, cm1, d2b, srci, dsti)
    r, st1 = _step5(d0, degp, sc)
    ga2, cm2, d2o = _step6(r, B2, b2r, degp, st1, g1, b1)
    sc2, _ = _conv_pass(ga2, cm2, d2b, srci, dsti)
    _, _, _, _, cat, out = _step10(d2o, degp, sc2, batp, g2, b2, linWT, lbr)
    return cat, out

# --- scband reference (transcript-rebuilt; emitter-appended) ---
"""Pipeline reference for scband-pw-cheb-3p-uw-9835475107897 (READ-ONLY COPY).

The authoritative reference and input builder live on the scoring server;
editing this copy changes nothing except your own understanding.
"""

import jax, jax.numpy as jnp
import numpy as np

N = 10000
E = 320000
IN_F = 128
OUT_MASK_F = 128
CL1_F = 64
CL2_F = 64
K = 3
OUT_F = 32
N_CONN = 4096
NUM_GRAPHS = 8


def setup_inputs(seed: int = 0):
    key = jax.random.key(seed)
    ks = jax.random.split(key, 8)
    inp = {}
    inp['x'] = jax.random.normal(ks[0], (N, IN_F), dtype=jnp.float32)
    inp['edge_index'] = jax.random.randint(ks[1], (2, E), 0, N, dtype=jnp.int32)
    inp['batch'] = jnp.sort(jax.random.randint(ks[2], (N,), 0, NUM_GRAPHS, dtype=jnp.int32))
    inp['sparse_mask'] = jax.random.randint(ks[3], (N_CONN, 2), 0, IN_F, dtype=jnp.int32)
    inp['sm_weight'] = jax.random.normal(ks[4], (N_CONN,), dtype=jnp.float32)
    inp['sm_bias'] = jnp.zeros((OUT_MASK_F,), dtype=jnp.float32)
    inp['conv1_W'] = jax.random.normal(ks[5], (K, OUT_MASK_F, CL1_F), dtype=jnp.float32) * 0.05
    inp['conv1_b'] = jnp.zeros((CL1_F,), dtype=jnp.float32)
    inp['bn1_g'] = jnp.ones((CL1_F,), dtype=jnp.float32)
    inp['bn1_b'] = jnp.zeros((CL1_F,), dtype=jnp.float32)
    inp['conv2_W'] = jax.random.normal(ks[6], (K, CL1_F, CL2_F), dtype=jnp.float32) * 0.05
    inp['conv2_b'] = jnp.zeros((CL2_F,), dtype=jnp.float32)
    inp['bn2_g'] = jnp.ones((CL2_F,), dtype=jnp.float32)
    inp['bn2_b'] = jnp.zeros((CL2_F,), dtype=jnp.float32)
    inp['lin_W'] = jax.random.normal(ks[7], (OUT_F, CL2_F * 3), dtype=jnp.float32) * 0.05
    inp['lin_b'] = jnp.zeros((OUT_F,), dtype=jnp.float32)
    return inp


def _cheb_weight(edge_index):
    # PyG ChebConv.__norm__ with normalization='sym', lambda_max=2.0:
    # L = I - D^-1/2 A D^-1/2; L_hat = 2L/lambda_max - I -> off-diag = -d_i^-1/2 d_j^-1/2, diag = 0
    src = edge_index[0]
    dst = edge_index[1]
    deg = jax.ops.segment_sum(jnp.ones(src.shape[0], jnp.float32), src, num_segments=N)
    dis = jnp.where(deg > 0, 1.0 / jnp.sqrt(jnp.where(deg > 0, deg, 1.0)), 0.0)
    return -dis[src] * dis[dst]


def _cheb_conv(x, edge_index, w, W, b):
    src = edge_index[0]
    dst = edge_index[1]
    def prop(h):
        return jax.ops.segment_sum(w[:, None] * h[src], dst, num_segments=N)
    Tx0 = x
    out = Tx0 @ W[0]
    Tx1 = prop(Tx0)
    out = out + Tx1 @ W[1]
    for k in range(2, K):
        Tx2 = 2.0 * prop(Tx1) - Tx0
        out = out + Tx2 @ W[k]
        Tx0, Tx1 = Tx1, Tx2
    return out + b


def _bn(x, g, b, eps=1e-5):
    m = jnp.mean(x, axis=0)
    v = jnp.var(x, axis=0)
    return (x - m) / jnp.sqrt(v + eps) * g + b


def _forward(x, edge_index, batch, sparse_mask, sm_weight, sm_bias, conv1_W, conv1_b, bn1_g, bn1_b, conv2_W, conv2_b, bn2_g, bn2_b, lin_W, lin_b):
    # SparseMaskedLinear_v2: gather input cols, scale by per-connection weight, scatter-add to output cols
    gath = x[:, sparse_mask[:, 0]] * sm_weight[None, :]
    h = jnp.zeros((x.shape[0], OUT_MASK_F), x.dtype).at[:, sparse_mask[:, 1]].add(gath) + sm_bias
    w = _cheb_weight(edge_index)
    h1 = jax.nn.relu(_cheb_conv(h, edge_index, w, conv1_W, conv1_b))
    h1 = _bn(h1, bn1_g, bn1_b)
    h2 = jax.nn.relu(_cheb_conv(h1, edge_index, w, conv2_W, conv2_b))
    h2 = _bn(h2, bn2_g, bn2_b)
    s = jax.ops.segment_sum(h2, batch, num_segments=NUM_GRAPHS)
    cnt = jax.ops.segment_sum(jnp.ones((h2.shape[0],), jnp.float32), batch, num_segments=NUM_GRAPHS)
    mean = s / jnp.maximum(cnt, 1.0)[:, None]
    mx = jax.ops.segment_max(h2, batch, num_segments=NUM_GRAPHS)
    cat = jnp.concatenate([s, mean, mx], axis=-1)
    out = cat @ lin_W.T + lin_b
    return (cat, out)


def reference(x, edge_index, batch, sparse_mask, sm_weight, sm_bias, conv1_W, conv1_b, bn1_g, bn1_b, conv2_W, conv2_b, bn2_g, bn2_b, lin_W, lin_b):
    return _forward(x, edge_index, batch, sparse_mask, sm_weight, sm_bias, conv1_W, conv1_b, bn1_g, bn1_b, conv2_W, conv2_b, bn2_g, bn2_b, lin_W, lin_b)

if __name__ == "__main__":
    import jax
    _d = setup_inputs()
    print(jax.jit(kernel)(*tuple(_d.values())))

</pallas_src>

<mosaic_0001>
#map = affine_map<(d0, d1) -> (0, 0)>
#map1 = affine_map<(d0, d1) -> (0, 0, 0)>
module attributes {stable_mosaic.version = 14 : i64} {
  func.func @_deg_body(%arg0: i32, %arg1: i32, %arg2: memref<128x16xf32, #tpu.memory_space<hbm>>, %arg3: memref<640x16xf32, #tpu.memory_space<hbm>>, %arg4: memref<32x80x128xi32, #tpu.memory_space<hbm>>, %arg5: memref<2x10240x16xf32, #tpu.memory_space<hbm>>, %arg6: memref<8x128xi32, #tpu.memory_space<vmem>>, %arg7: memref<128x16xf32, #tpu.memory_space<vmem>>, %arg8: memref<640x16xf32, #tpu.memory_space<vmem>>, %arg9: memref<10240x16xf32, #tpu.memory_space<vmem_shared>>, %arg10: memref<!tpu.dma_semaphore, #tpu.memory_space<semaphore_mem>>) attributes {dimension_semantics = [#tpu.dimension_semantics<core_parallel>, #tpu.dimension_semantics<subcore_parallel>], iteration_bounds = array<i64: 2, 16>, scalar_prefetch = 0 : i64, scratch_operands = 5 : i64, tpu.core_type = #tpu.core_type<sc_vector_subcore>, window_params = [{transform_indices = #map}, {transform_indices = #map}, {transform_indices = #map1}, {transform_indices = #map1}]} {
    %mul3A = arith.constant 16 : i32
    %mul3A_0 = arith.muli %arg0, %mul3A : i32
    %add3A = arith.addi %mul3A_0, %arg1 : i32
    "tpu.region"() ({
      %run_scoped3A = tpu.sem_alloc : memref<!tpu.dma_semaphore, #tpu.memory_space<semaphore_mem>>
      tpu.enqueue_dma source(%arg3 : memref<640x16xf32, #tpu.memory_space<hbm>>) target(%arg8 : memref<640x16xf32, #tpu.memory_space<vmem>>) target_semaphore(%run_scoped3A : memref<!tpu.dma_semaphore, #tpu.memory_space<semaphore_mem>>)
      tpu.wait_dma2 semaphore(%run_scoped3A : memref<!tpu.dma_semaphore, #tpu.memory_space<semaphore_mem>>) src(%arg3 : memref<640x16xf32, #tpu.memory_space<hbm>>) dst(%arg8 : memref<640x16xf32, #tpu.memory_space<vmem>>)
      tpu.yield
    }) : () -> ()
    %mul3A_1 = arith.constant 640 : i32
    %mul3A_2 = arith.muli %arg1, %mul3A_1 : i32
    "tpu.region"() ({
      %run_scoped3A = tpu.sem_alloc : memref<!tpu.dma_semaphore, #tpu.memory_space<semaphore_mem>>
      %dma_start3A = arith.constant 0 : i32
      %dma_start3A_12 = tpu.memref_slice %arg9[%mul3A_2, %dma_start3A] : memref<10240x16xf32, #tpu.memory_space<vmem_shared>> -> memref<640x16xf32, #tpu.memory_space<vmem_shared>>
      %dma_start3A_13 = arith.constant 0 : i32
      %dma_start3A_14 = tpu.memref_slice %arg9[%mul3A_2, %dma_start3A_13] : memref<10240x16xf32, #tpu.memory_space<vmem_shared>> -> memref<640x16xf32, #tpu.memory_space<vmem_shared>>
      tpu.enqueue_dma source(%arg8 : memref<640x16xf32, #tpu.memory_space<vmem>>) target(%dma_start3A_14 : memref<640x16xf32, #tpu.memory_space<vmem_shared>>) target_semaphore(%run_scoped3A : memref<!tpu.dma_semaphore, #tpu.memory_space<semaphore_mem>>)
      %dma_wait3A = arith.constant 0 : i32
      %dma_wait3A_15 = tpu.memref_slice %arg9[%mul3A_2, %dma_wait3A] : memref<10240x16xf32, #tpu.memory_space<vmem_shared>> -> memref<640x16xf32, #tpu.memory_space<vmem_shared>>
      %dma_wait3A_16 = arith.constant 0 : i32
      %dma_wait3A_17 = tpu.memref_slice %arg9[%mul3A_2, %dma_wait3A_16] : memref<10240x16xf32, #tpu.memory_space<vmem_shared>> -> memref<640x16xf32, #tpu.memory_space<vmem_shared>>
      tpu.wait_dma2 semaphore(%run_scoped3A : memref<!tpu.dma_semaphore, #tpu.memory_space<semaphore_mem>>) src(%arg8 : memref<640x16xf32, #tpu.memory_space<vmem>>) dst(%dma_wait3A_17 : memref<640x16xf32, #tpu.memory_space<vmem_shared>>)
      tpu.yield
    }) : () -> ()
    "tpu.region"() ({
      %run_scoped3A = tpu.sem_alloc : memref<!tpu.dma_semaphore, #tpu.memory_space<semaphore_mem>>
      tpu.enqueue_dma source(%arg2 : memref<128x16xf32, #tpu.memory_space<hbm>>) target(%arg7 : memref<128x16xf32, #tpu.memory_space<vmem>>) target_semaphore(%run_scoped3A : memref<!tpu.dma_semaphore, #tpu.memory_space<semaphore_mem>>)
      tpu.wait_dma2 semaphore(%run_scoped3A : memref<!tpu.dma_semaphore, #tpu.memory_space<semaphore_mem>>) src(%arg2 : memref<128x16xf32, #tpu.memory_space<hbm>>) dst(%arg7 : memref<128x16xf32, #tpu.memory_space<vmem>>)
      tpu.yield
    }) : () -> ()
    %barrier3A = arith.constant 0 : index
    tpu.barrier barrier_id(%barrier3A)
    %scan3A = arith.constant 0 : i32
    %scan3A_3 = arith.constant 10 : i32
    %scan3A_4 = arith.addi %scan3A, %scan3A_3 : i32
    %scan3A_5 = arith.constant 1 : i32
    scf.for %scan3A_12 = %scan3A to %scan3A_4 step %scan3A_5  : i32 {
      %mul3A_13 = arith.constant 1 : i32
      %mul3A_14 = arith.muli %scan3A_12, %mul3A_13 : i32
      %add3A_15 = arith.constant 0 : i32
      %add3A_16 = arith.addi %add3A_15, %mul3A_14 : i32
      %mul3A_17 = arith.constant 8 : i32
      %mul3A_18 = arith.muli %add3A_16, %mul3A_17 : i32
      "tpu.region"() ({
        %run_scoped3A_26 = tpu.sem_alloc : memref<!tpu.dma_semaphore, #tpu.memory_space<semaphore_mem>>
        %dma_start3A = arith.constant 0 : i32
        %dma_start3A_27 = tpu.memref_slice %arg4[%add3A, %mul3A_18, %dma_start3A] : memref<32x80x128xi32, #tpu.memory_space<hbm>> -> memref<1x8x128xi32, #tpu.memory_space<hbm>>
        %dma_start3A_28 = tpu.memref_squeeze %dma_start3A_27 : memref<1x8x128xi32, #tpu.memory_space<hbm>> -> memref<8x128xi32, #tpu.memory_space<hbm>>
        %dma_start3A_29 = arith.constant 0 : i32
        %dma_start3A_30 = tpu.memref_slice %arg4[%add3A, %mul3A_18, %dma_start3A_29] : memref<32x80x128xi32, #tpu.memory_space<hbm>> -> memref<1x8x128xi32, #tpu.memory_space<hbm>>
        %dma_start3A_31 = tpu.memref_squeeze %dma_start3A_30 : memref<1x8x128xi32, #tpu.memory_space<hbm>> -> memref<8x128xi32, #tpu.memory_space<hbm>>
        tpu.enqueue_dma source(%dma_start3A_31 : memref<8x128xi32, #tpu.memory_space<hbm>>) target(%arg6 : memref<8x128xi32, #tpu.memory_space<vmem>>) target_semaphore(%run_scoped3A_26 : memref<!tpu.dma_semaphore, #tpu.memory_space<semaphore_mem>>)
        %dma_wait3A = arith.constant 0 : i32
        %dma_wait3A_32 = tpu.memref_slice %arg4[%add3A, %mul3A_18, %dma_wait3A] : memref<32x80x128xi32, #tpu.memory_space<hbm>> -> memref<1x8x128xi32, #tpu.memory_space<hbm>>
        %dma_wait3A_33 = tpu.memref_squeeze %dma_wait3A_32 : memref<1x8x128xi32, #tpu.memory_space<hbm>> -> memref<8x128xi32, #tpu.memory_space<hbm>>
        %dma_wait3A_34 = arith.constant 0 : i32
        %dma_wait3A_35 = tpu.memref_slice %arg4[%add3A, %mul3A_18, %dma_wait3A_34] : memref<32x80x128xi32, #tpu.memory_space<hbm>> -> memref<1x8x128xi32, #tpu.memory_space<hbm>>
        %dma_wait3A_36 = tpu.memref_squeeze %dma_wait3A_35 : memref<1x8x128xi32, #tpu.memory_space<hbm>> -> memref<8x128xi32, #tpu.memory_space<hbm>>
        tpu.wait_dma2 semaphore(%run_scoped3A_26 : memref<!tpu.dma_semaphore, #tpu.memory_space<semaphore_mem>>) src(%dma_wait3A_36 : memref<8x128xi32, #tpu.memory_space<hbm>>) dst(%arg6 : memref<8x128xi32, #tpu.memory_space<vmem>>)
        tpu.yield
      }) : () -> ()
      %run_scoped3A = arith.constant 0 : i32
      "tpu.region"() ({
        %run_scoped3A_26 = tpu.sem_alloc : memref<!tpu.dma_semaphore, #tpu.memory_space<semaphore_mem>>
        %dma_start3A = arith.constant 0 : i32
        %dma_start3A_27 = tpu.memref_slice %arg6[%run_scoped3A, %dma_start3A] : memref<8x128xi32, #tpu.memory_space<vmem>> -> memref<1x128xi32, #tpu.memory_space<vmem>>
        %dma_start3A_28 = tpu.memref_squeeze %dma_start3A_27 : memref<1x128xi32, #tpu.memory_space<vmem>> -> memref<128xi32, #tpu.memory_space<vmem>>
        %dma_start3A_29 = arith.constant 0 : i32
        %dma_start3A_30 = arith.constant 0 : i32
        %dma_start3A_31 = tpu.memref_slice %arg9[%dma_start3A_29, %dma_start3A_30] : memref<10240x16xf32, #tpu.memory_space<vmem_shared>> -> memref<10240x16xf32, #tpu.memory_space<vmem_shared>>
        tpu.enqueue_indirect_dma source(%arg7 : memref<128x16xf32, #tpu.memory_space<vmem>>) target(%dma_start3A_31 : memref<10240x16xf32, #tpu.memory_space<vmem_shared>>) offsets(%dma_start3A_28 : memref<128xi32, #tpu.memory_space<vmem>>) semaphore(%run_scoped3A_26 : memref<!tpu.dma_semaphore, #tpu.memory_space<semaphore_mem>>) {add = true}
        %dma_wait3A = arith.constant 0 : i32
        %dma_wait3A_32 = tpu.memref_slice %arg6[%run_scoped3A, %dma_wait3A] : memref<8x128xi32, #tpu.memory_space<vmem>> -> memref<1x128xi32, #tpu.memory_space<vmem>>
        %dma_wait3A_33 = tpu.memref_squeeze %dma_wait3A_32 : memref<1x128xi32, #tpu.memory_space<vmem>> -> memref<128xi32, #tpu.memory_space<vmem>>
        %dma_wait3A_34 = arith.constant 0 : i32
        %dma_wait3A_35 = arith.constant 0 : i32
        %dma_wait3A_36 = tpu.memref_slice %arg9[%dma_wait3A_34, %dma_wait3A_35] : memref<10240x16xf32, #tpu.memory_space<vmem_shared>> -> memref<10240x16xf32, #tpu.memory_space<vmem_shared>>
        tpu.wait_indirect_dma semaphore(%run_scoped3A_26 : memref<!tpu.dma_semaphore, #tpu.memory_space<semaphore_mem>>) src(%arg7 : memref<128x16xf32, #tpu.memory_space<vmem>>) dst(%dma_wait3A_36 : memref<10240x16xf32, #tpu.memory_space<vmem_shared>>)
        tpu.yield
      }) : () -> ()
      %run_scoped3A_19 = arith.constant 1 : i32
      "tpu.region"() ({
        %run_scoped3A_26 = tpu.sem_alloc : memref<!tpu.dma_semaphore, #tpu.memory_space<semaphore_mem>>
        %dma_start3A = arith.constant 0 : i32
        %dma_start3A_27 = tpu.memref_slice %arg6[%run_scoped3A_19, %dma_start3A] : memref<8x128xi32, #tpu.memory_space<vmem>> -> memref<1x128xi32, #tpu.memory_space<vmem>>
        %dma_start3A_28 = tpu.memref_squeeze %dma_start3A_27 : memref<1x128xi32, #tpu.memory_space<vmem>> -> memref<128xi32, #tpu.memory_space<vmem>>
        %dma_start3A_29 = arith.constant 0 : i32
        %dma_start3A_30 = arith.constant 0 : i32
        %dma_start3A_31 = tpu.memref_slice %arg9[%dma_start3A_29, %dma_start3A_30] : memref<10240x16xf32, #tpu.memory_space<vmem_shared>> -> memref<10240x16xf32, #tpu.memory_space<vmem_shared>>
        tpu.enqueue_indirect_dma source(%arg7 : memref<128x16xf32, #tpu.memory_space<vmem>>) target(%dma_start3A_31 : memref<10240x16xf32, #tpu.memory_space<vmem_shared>>) offsets(%dma_start3A_28 : memref<128xi32, #tpu.memory_space<vmem>>) semaphore(%run_scoped3A_26 : memref<!tpu.dma_semaphore, #tpu.memory_space<semaphore_mem>>) {add = true}
        %dma_wait3A = arith.constant 0 : i32
        %dma_wait3A_32 = tpu.memref_slice %arg6[%run_scoped3A_19, %dma_wait3A] : memref<8x128xi32, #tpu.memory_space<vmem>> -> memref<1x128xi32, #tpu.memory_space<vmem>>
        %dma_wait3A_33 = tpu.memref_squeeze %dma_wait3A_32 : memref<1x128xi32, #tpu.memory_space<vmem>> -> memref<128xi32, #tpu.memory_space<vmem>>
        %dma_wait3A_34 = arith.constant 0 : i32
        %dma_wait3A_35 = arith.constant 0 : i32
        %dma_wait3A_36 = tpu.memref_slice %arg9[%dma_wait3A_34, %dma_wait3A_35] : memref<10240x16xf32, #tpu.memory_space<vmem_shared>> -> memref<10240x16xf32, #tpu.memory_space<vmem_shared>>
        tpu.wait_indirect_dma semaphore(%run_scoped3A_26 : memref<!tpu.dma_semaphore, #tpu.memory_space<semaphore_mem>>) src(%arg7 : memref<128x16xf32, #tpu.memory_space<vmem>>) dst(%dma_wait3A_36 : memref<10240x16xf32, #tpu.memory_space<vmem_shared>>)
        tpu.yield
      }) : () -> ()
      %run_scoped3A_20 = arith.constant 2 : i32
      "tpu.region"() ({
        %run_scoped3A_26 = tpu.sem_alloc : memref<!tpu.dma_semaphore, #tpu.memory_space<semaphore_mem>>
        %dma_start3A = arith.constant 0 : i32
        %dma_start3A_27 = tpu.memref_slice %arg6[%run_scoped3A_20, %dma_start3A] : memref<8x128xi32, #tpu.memory_space<vmem>> -> memref<1x128xi32, #tpu.memory_space<vmem>>
        %dma_start3A_28 = tpu.memref_squeeze %dma_start3A_27 : memref<1x128xi32, #tpu.memory_space<vmem>> -> memref<128xi32, #tpu.memory_space<vmem>>
        %dma_start3A_29 = arith.constant 0 : i32
        %dma_start3A_30 = arith.constant 0 : i32
        %dma_start3A_31 = tpu.memref_slice %arg9[%dma_start3A_29, %dma_start3A_30] : memref<10240x16xf32, #tpu.memory_space<vmem_shared>> -> memref<10240x16xf32, #tpu.memory_space<vmem_shared>>
        tpu.enqueue_indirect_dma source(%arg7 : memref<128x16xf32, #tpu.memory_space<vmem>>) target(%dma_start3A_31 : memref<10240x16xf32, #tpu.memory_space<vmem_shared>>) offsets(%dma_start3A_28 : memref<128xi32, #tpu.memory_space<vmem>>) semaphore(%run_scoped3A_26 : memref<!tpu.dma_semaphore, #tpu.memory_space<semaphore_mem>>) {add = true}
        %dma_wait3A = arith.constant 0 : i32
        %dma_wait3A_32 = tpu.memref_slice %arg6[%run_scoped3A_20, %dma_wait3A] : memref<8x128xi32, #tpu.memory_space<vmem>> -> memref<1x128xi32, #tpu.memory_space<vmem>>
        %dma_wait3A_33 = tpu.memref_squeeze %dma_wait3A_32 : memref<1x128xi32, #tpu.memory_space<vmem>> -> memref<128xi32, #tpu.memory_space<vmem>>
        %dma_wait3A_34 = arith.constant 0 : i32
        %dma_wait3A_35 = arith.constant 0 : i32
        %dma_wait3A_36 = tpu.memref_slice %arg9[%dma_wait3A_34, %dma_wait3A_35] : memref<10240x16xf32, #tpu.memory_space<vmem_shared>> -> memref<10240x16xf32, #tpu.memory_space<vmem_shared>>
        tpu.wait_indirect_dma semaphore(%run_scoped3A_26 : memref<!tpu.dma_semaphore, #tpu.memory_space<semaphore_mem>>) src(%arg7 : memref<128x16xf32, #tpu.memory_space<vmem>>) dst(%dma_wait3A_36 : memref<10240x16xf32, #tpu.memory_space<vmem_shared>>)
        tpu.yield
      }) : () -> ()
      %run_scoped3A_21 = arith.constant 3 : i32
      "tpu.region"() ({
        %run_scoped3A_26 = tpu.sem_alloc : memref<!tpu.dma_semaphore, #tpu.memory_space<semaphore_mem>>
        %dma_start3A = arith.constant 0 : i32
        %dma_start3A_27 = tpu.memref_slice %arg6[%run_scoped3A_21, %dma_start3A] : memref<8x128xi32, #tpu.memory_space<vmem>> -> memref<1x128xi32, #tpu.memory_space<vmem>>
        %dma_start3A_28 = tpu.memref_squeeze %dma_start3A_27 : memref<1x128xi32, #tpu.memory_space<vmem>> -> memref<128xi32, #tpu.memory_space<vmem>>
        %dma_start3A_29 = arith.constant 0 : i32
        %dma_start3A_30 = arith.constant 0 : i32
        %dma_start3A_31 = tpu.memref_slice %arg9[%dma_start3A_29, %dma_start3A_30] : memref<10240x16xf32, #tpu.memory_space<vmem_shared>> -> memref<10240x16xf32, #tpu.memory_space<vmem_shared>>
        tpu.enqueue_indirect_dma source(%arg7 : memref<128x16xf32, #tpu.memory_space<vmem>>) target(%dma_start3A_31 : memref<10240x16xf32, #tpu.memory_space<vmem_shared>>) offsets(%dma_start3A_28 : memref<128xi32, #tpu.memory_space<vmem>>) semaphore(%run_scoped3A_26 : memref<!tpu.dma_semaphore, #tpu.memory_space<semaphore_mem>>) {add = true}
        %dma_wait3A = arith.constant 0 : i32
        %dma_wait3A_32 = tpu.memref_slice %arg6[%run_scoped3A_21, %dma_wait3A] : memref<8x128xi32, #tpu.memory_space<vmem>> -> memref<1x128xi32, #tpu.memory_space<vmem>>
        %dma_wait3A_33 = tpu.memref_squeeze %dma_wait3A_32 : memref<1x128xi32, #tpu.memory_space<vmem>> -> memref<128xi32, #tpu.memory_space<vmem>>
        %dma_wait3A_34 = arith.constant 0 : i32
        %dma_wait3A_35 = arith.constant 0 : i32
        %dma_wait3A_36 = tpu.memref_slice %arg9[%dma_wait3A_34, %dma_wait3A_35] : memref<10240x16xf32, #tpu.memory_space<vmem_shared>> -> memref<10240x16xf32, #tpu.memory_space<vmem_shared>>
        tpu.wait_indirect_dma semaphore(%run_scoped3A_26 : memref<!tpu.dma_semaphore, #tpu.memory_space<semaphore_mem>>) src(%arg7 : memref<128x16xf32, #tpu.memory_space<vmem>>) dst(%dma_wait3A_36 : memref<10240x16xf32, #tpu.memory_space<vmem_shared>>)
        tpu.yield
      }) : () -> ()
      %run_scoped3A_22 = arith.constant 4 : i32
      "tpu.region"() ({
        %run_scoped3A_26 = tpu.sem_alloc : memref<!tpu.dma_semaphore, #tpu.memory_space<semaphore_mem>>
        %dma_start3A = arith.constant 0 : i32
        %dma_start3A_27 = tpu.memref_slice %arg6[%run_scoped3A_22, %dma_start3A] : memref<8x128xi32, #tpu.memory_space<vmem>> -> memref<1x128xi32, #tpu.memory_space<vmem>>
        %dma_start3A_28 = tpu.memref_squeeze %dma_start3A_27 : memref<1x128xi32, #tpu.memory_space<vmem>> -> memref<128xi32, #tpu.memory_space<vmem>>
        %dma_start3A_29 = arith.constant 0 : i32
        %dma_start3A_30 = arith.constant 0 : i32
        %dma_start3A_31 = tpu.memref_slice %arg9[%dma_start3A_29, %dma_start3A_30] : memref<10240x16xf32, #tpu.memory_space<vmem_shared>> -> memref<10240x16xf32, #tpu.memory_space<vmem_shared>>
        tpu.enqueue_indirect_dma source(%arg7 : memref<128x16xf32, #tpu.memory_space<vmem>>) target(%dma_start3A_31 : memref<10240x16xf32, #tpu.memory_space<vmem_shared>>) offsets(%dma_start3A_28 : memref<128xi32, #tpu.memory_space<vmem>>) semaphore(%run_scoped3A_26 : memref<!tpu.dma_semaphore, #tpu.memory_space<semaphore_mem>>) {add = true}
        %dma_wait3A = arith.constant 0 : i32
        %dma_wait3A_32 = tpu.memref_slice %arg6[%run_scoped3A_22, %dma_wait3A] : memref<8x128xi32, #tpu.memory_space<vmem>> -> memref<1x128xi32, #tpu.memory_space<vmem>>
        %dma_wait3A_33 = tpu.memref_squeeze %dma_wait3A_32 : memref<1x128xi32, #tpu.memory_space<vmem>> -> memref<128xi32, #tpu.memory_space<vmem>>
        %dma_wait3A_34 = arith.constant 0 : i32
        %dma_wait3A_35 = arith.constant 0 : i32
        %dma_wait3A_36 = tpu.memref_slice %arg9[%dma_wait3A_34, %dma_wait3A_35] : memref<10240x16xf32, #tpu.memory_space<vmem_shared>> -> memref<10240x16xf32, #tpu.memory_space<vmem_shared>>
        tpu.wait_indirect_dma semaphore(%run_scoped3A_26 : memref<!tpu.dma_semaphore, #tpu.memory_space<semaphore_mem>>) src(%arg7 : memref<128x16xf32, #tpu.memory_space<vmem>>) dst(%dma_wait3A_36 : memref<10240x16xf32, #tpu.memory_space<vmem_shared>>)
        tpu.yield
      }) : () -> ()
      %run_scoped3A_23 = arith.constant 5 : i32
      "tpu.region"() ({
        %run_scoped3A_26 = tpu.sem_alloc : memref<!tpu.dma_semaphore, #tpu.memory_space<semaphore_mem>>
        %dma_start3A = arith.constant 0 : i32
        %dma_start3A_27 = tpu.memref_slice %arg6[%run_scoped3A_23, %dma_start3A] : memref<8x128xi32, #tpu.memory_space<vmem>> -> memref<1x128xi32, #tpu.memory_space<vmem>>
        %dma_start3A_28 = tpu.memref_squeeze %dma_start3A_27 : memref<1x128xi32, #tpu.memory_space<vmem>> -> memref<128xi32, #tpu.memory_space<vmem>>
        %dma_start3A_29 = arith.constant 0 : i32
        %dma_start3A_30 = arith.constant 0 : i32
        %dma_start3A_31 = tpu.memref_slice %arg9[%dma_start3A_29, %dma_start3A_30] : memref<10240x16xf32, #tpu.memory_space<vmem_shared>> -> memref<10240x16xf32, #tpu.memory_space<vmem_shared>>
        tpu.enqueue_indirect_dma source(%arg7 : memref<128x16xf32, #tpu.memory_space<vmem>>) target(%dma_start3A_31 : memref<10240x16xf32, #tpu.memory_space<vmem_shared>>) offsets(%dma_start3A_28 : memref<128xi32, #tpu.memory_space<vmem>>) semaphore(%run_scoped3A_26 : memref<!tpu.dma_semaphore, #tpu.memory_space<semaphore_mem>>) {add = true}
        %dma_wait3A = arith.constant 0 : i32
        %dma_wait3A_32 = tpu.memref_slice %arg6[%run_scoped3A_23, %dma_wait3A] : memref<8x128xi32, #tpu.memory_space<vmem>> -> memref<1x128xi32, #tpu.memory_space<vmem>>
        %dma_wait3A_33 = tpu.memref_squeeze %dma_wait3A_32 : memref<1x128xi32, #tpu.memory_space<vmem>> -> memref<128xi32, #tpu.memory_space<vmem>>
        %dma_wait3A_34 = arith.constant 0 : i32
        %dma_wait3A_35 = arith.constant 0 : i32
        %dma_wait3A_36 = tpu.memref_slice %arg9[%dma_wait3A_34, %dma_wait3A_35] : memref<10240x16xf32, #tpu.memory_space<vmem_shared>> -> memref<10240x16xf32, #tpu.memory_space<vmem_shared>>
        tpu.wait_indirect_dma semaphore(%run_scoped3A_26 : memref<!tpu.dma_semaphore, #tpu.memory_space<semaphore_mem>>) src(%arg7 : memref<128x16xf32, #tpu.memory_space<vmem>>) dst(%dma_wait3A_36 : memref<10240x16xf32, #tpu.memory_space<vmem_shared>>)
        tpu.yield
      }) : () -> ()
      %run_scoped3A_24 = arith.constant 6 : i32
      "tpu.region"() ({
        %run_scoped3A_26 = tpu.sem_alloc : memref<!tpu.dma_semaphore, #tpu.memory_space<semaphore_mem>>
        %dma_start3A = arith.constant 0 : i32
        %dma_start3A_27 = tpu.memref_slice %arg6[%run_scoped3A_24, %dma_start3A] : memref<8x128xi32, #tpu.memory_space<vmem>> -> memref<1x128xi32, #tpu.memory_space<vmem>>
        %dma_start3A_28 = tpu.memref_squeeze %dma_start3A_27 : memref<1x128xi32, #tpu.memory_space<vmem>> -> memref<128xi32, #tpu.memory_space<vmem>>
        %dma_start3A_29 = arith.constant 0 : i32
        %dma_start3A_30 = arith.constant 0 : i32
        %dma_start3A_31 = tpu.memref_slice %arg9[%dma_start3A_29, %dma_start3A_30] : memref<10240x16xf32, #tpu.memory_space<vmem_shared>> -> memref<10240x16xf32, #tpu.memory_space<vmem_shared>>
        tpu.enqueue_indirect_dma source(%arg7 : memref<128x16xf32, #tpu.memory_space<vmem>>) target(%dma_start3A_31 : memref<10240x16xf32, #tpu.memory_space<vmem_shared>>) offsets(%dma_start3A_28 : memref<128xi32, #tpu.memory_space<vmem>>) semaphore(%run_scoped3A_26 : memref<!tpu.dma_semaphore, #tpu.memory_space<semaphore_mem>>) {add = true}
        %dma_wait3A = arith.constant 0 : i32
        %dma_wait3A_32 = tpu.memref_slice %arg6[%run_scoped3A_24, %dma_wait3A] : memref<8x128xi32, #tpu.memory_space<vmem>> -> memref<1x128xi32, #tpu.memory_space<vmem>>
        %dma_wait3A_33 = tpu.memref_squeeze %dma_wait3A_32 : memref<1x128xi32, #tpu.memory_space<vmem>> -> memref<128xi32, #tpu.memory_space<vmem>>
        %dma_wait3A_34 = arith.constant 0 : i32
        %dma_wait3A_35 = arith.constant 0 : i32
        %dma_wait3A_36 = tpu.memref_slice %arg9[%dma_wait3A_34, %dma_wait3A_35] : memref<10240x16xf32, #tpu.memory_space<vmem_shared>> -> memref<10240x16xf32, #tpu.memory_space<vmem_shared>>
        tpu.wait_indirect_dma semaphore(%run_scoped3A_26 : memref<!tpu.dma_semaphore, #tpu.memory_space<semaphore_mem>>) src(%arg7 : memref<128x16xf32, #tpu.memory_space<vmem>>) dst(%dma_wait3A_36 : memref<10240x16xf32, #tpu.memory_space<vmem_shared>>)
        tpu.yield
      }) : () -> ()
      %run_scoped3A_25 = arith.constant 7 : i32
      "tpu.region"() ({
        %run_scoped3A_26 = tpu.sem_alloc : memref<!tpu.dma_semaphore, #tpu.memory_space<semaphore_mem>>
        %dma_start3A = arith.constant 0 : i32
        %dma_start3A_27 = tpu.memref_slice %arg6[%run_scoped3A_25, %dma_start3A] : memref<8x128xi32, #tpu.memory_space<vmem>> -> memref<1x128xi32, #tpu.memory_space<vmem>>
        %dma_start3A_28 = tpu.memref_squeeze %dma_start3A_27 : memref<1x128xi32, #tpu.memory_space<vmem>> -> memref<128xi32, #tpu.memory_space<vmem>>
        %dma_start3A_29 = arith.constant 0 : i32
        %dma_start3A_30 = arith.constant 0 : i32
        %dma_start3A_31 = tpu.memref_slice %arg9[%dma_start3A_29, %dma_start3A_30] : memref<10240x16xf32, #tpu.memory_space<vmem_shared>> -> memref<10240x16xf32, #tpu.memory_space<vmem_shared>>
        tpu.enqueue_indirect_dma source(%arg7 : memref<128x16xf32, #tpu.memory_space<vmem>>) target(%dma_start3A_31 : memref<10240x16xf32, #tpu.memory_space<vmem_shared>>) offsets(%dma_start3A_28 : memref<128xi32, #tpu.memory_space<vmem>>) semaphore(%run_scoped3A_26 : memref<!tpu.dma_semaphore, #tpu.memory_space<semaphore_mem>>) {add = true}
        %dma_wait3A = arith.constant 0 : i32
        %dma_wait3A_32 = tpu.memref_slice %arg6[%run_scoped3A_25, %dma_wait3A] : memref<8x128xi32, #tpu.memory_space<vmem>> -> memref<1x128xi32, #tpu.memory_space<vmem>>
        %dma_wait3A_33 = tpu.memref_squeeze %dma_wait3A_32 : memref<1x128xi32, #tpu.memory_space<vmem>> -> memref<128xi32, #tpu.memory_space<vmem>>
        %dma_wait3A_34 = arith.constant 0 : i32
        %dma_wait3A_35 = arith.constant 0 : i32
        %dma_wait3A_36 = tpu.memref_slice %arg9[%dma_wait3A_34, %dma_wait3A_35] : memref<10240x16xf32, #tpu.memory_space<vmem_shared>> -> memref<10240x16xf32, #tpu.memory_space<vmem_shared>>
        tpu.wait_indirect_dma semaphore(%run_scoped3A_26 : memref<!tpu.dma_semaphore, #tpu.memory_space<semaphore_mem>>) src(%arg7 : memref<128x16xf32, #tpu.memory_space<vmem>>) dst(%dma_wait3A_36 : memref<10240x16xf32, #tpu.memory_space<vmem_shared>>)
        tpu.yield
      }) : () -> ()
    }
    %scan3A_6 = arith.constant 10 : i32
    %barrier3A_7 = arith.constant 0 : index
    tpu.barrier barrier_id(%barrier3A_7)
    %mul3A_8 = arith.constant 640 : i32
    %mul3A_9 = arith.muli %arg1, %mul3A_8 : i32
    "tpu.region"() ({
      %run_scoped3A = tpu.sem_alloc : memref<!tpu.dma_semaphore, #tpu.memory_space<semaphore_mem>>
      %dma_start3A = arith.constant 0 : i32
      %dma_start3A_12 = tpu.memref_slice %arg9[%mul3A_9, %dma_start3A] : memref<10240x16xf32, #tpu.memory_space<vmem_shared>> -> memref<640x16xf32, #tpu.memory_space<vmem_shared>>
      %dma_start3A_13 = arith.constant 0 : i32
      %dma_start3A_14 = tpu.memref_slice %arg9[%mul3A_9, %dma_start3A_13] : memref<10240x16xf32, #tpu.memory_space<vmem_shared>> -> memref<640x16xf32, #tpu.memory_space<vmem_shared>>
      tpu.enqueue_dma source(%dma_start3A_14 : memref<640x16xf32, #tpu.memory_space<vmem_shared>>) target(%arg8 : memref<640x16xf32, #tpu.memory_space<vmem>>) target_semaphore(%run_scoped3A : memref<!tpu.dma_semaphore, #tpu.memory_space<semaphore_mem>>)
      %dma_wait3A = arith.constant 0 : i32
      %dma_wait3A_15 = tpu.memref_slice %arg9[%mul3A_9, %dma_wait3A] : memref<10240x16xf32, #tpu.memory_space<vmem_shared>> -> memref<640x16xf32, #tpu.memory_space<vmem_shared>>
      %dma_wait3A_16 = arith.constant 0 : i32
      %dma_wait3A_17 = tpu.memref_slice %arg9[%mul3A_9, %dma_wait3A_16] : memref<10240x16xf32, #tpu.memory_space<vmem_shared>> -> memref<640x16xf32, #tpu.memory_space<vmem_shared>>
      tpu.wait_dma2 semaphore(%run_scoped3A : memref<!tpu.dma_semaphore, #tpu.memory_space<semaphore_mem>>) src(%dma_wait3A_17 : memref<640x16xf32, #tpu.memory_space<vmem_shared>>) dst(%arg8 : memref<640x16xf32, #tpu.memory_space<vmem>>)
      tpu.yield
    }) : () -> ()
    %mul3A_10 = arith.constant 640 : i32
    %mul3A_11 = arith.muli %arg1, %mul3A_10 : i32
    "tpu.region"() ({
      %run_scoped3A = tpu.sem_alloc : memref<!tpu.dma_semaphore, #tpu.memory_space<semaphore_mem>>
      %dma_start3A = arith.constant 0 : i32
      %dma_start3A_12 = tpu.memref_slice %arg5[%arg0, %mul3A_11, %dma_start3A] : memref<2x10240x16xf32, #tpu.memory_space<hbm>> -> memref<1x640x16xf32, #tpu.memory_space<hbm>>
      %dma_start3A_13 = tpu.memref_squeeze %dma_start3A_12 : memref<1x640x16xf32, #tpu.memory_space<hbm>> -> memref<640x16xf32, #tpu.memory_space<hbm>>
      %dma_start3A_14 = arith.constant 0 : i32
      %dma_start3A_15 = tpu.memref_slice %arg5[%arg0, %mul3A_11, %dma_start3A_14] : memref<2x10240x16xf32, #tpu.memory_space<hbm>> -> memref<1x640x16xf32, #tpu.memory_space<hbm>>
      %dma_start3A_16 = tpu.memref_squeeze %dma_start3A_15 : memref<1x640x16xf32, #tpu.memory_space<hbm>> -> memref<640x16xf32, #tpu.memory_space<hbm>>
      tpu.enqueue_dma source(%arg8 : memref<640x16xf32, #tpu.memory_space<vmem>>) target(%dma_start3A_16 : memref<640x16xf32, #tpu.memory_space<hbm>>) target_semaphore(%run_scoped3A : memref<!tpu.dma_semaphore, #tpu.memory_space<semaphore_mem>>)
      %dma_wait3A = arith.constant 0 : i32
      %dma_wait3A_17 = tpu.memref_slice %arg5[%arg0, %mul3A_11, %dma_wait3A] : memref<2x10240x16xf32, #tpu.memory_space<hbm>> -> memref<1x640x16xf32, #tpu.memory_space<hbm>>
      %dma_wait3A_18 = tpu.memref_squeeze %dma_wait3A_17 : memref<1x640x16xf32, #tpu.memory_space<hbm>> -> memref<640x16xf32, #tpu.memory_space<hbm>>
      %dma_wait3A_19 = arith.constant 0 : i32
      %dma_wait3A_20 = tpu.memref_slice %arg5[%arg0, %mul3A_11, %dma_wait3A_19] : memref<2x10240x16xf32, #tpu.memory_space<hbm>> -> memref<1x640x16xf32, #tpu.memory_space<hbm>>
      %dma_wait3A_21 = tpu.memref_squeeze %dma_wait3A_20 : memref<1x640x16xf32, #tpu.memory_space<hbm>> -> memref<640x16xf32, #tpu.memory_space<hbm>>
      tpu.wait_dma2 semaphore(%run_scoped3A : memref<!tpu.dma_semaphore, #tpu.memory_space<semaphore_mem>>) src(%arg8 : memref<640x16xf32, #tpu.memory_space<vmem>>) dst(%dma_wait3A_21 : memref<640x16xf32, #tpu.memory_space<hbm>>)
      tpu.yield
    }) : () -> ()
    return
  }
}

</mosaic_0001>

<sc_bundles>
// kernel: _deg_pass.3.cloned.1.call-start
scs
__scs_entry_jumppad:
0x0: {  	(pc) =	sbr.rel $0x88, $3  }
0x1: {  	(tag) =	ssettag $0x0;
	lr =	simm.s32 $0x1  }
0x2: {  	[smem:$0x3F9E] =	sst lr;
	_ =	strace $0xD0000000  }
0x3: {  	_ = 	snop  }
0x4: {  	_ = 	snop  }
0x5: {  	_ = 	snop  }
0x6: {  	_ = 	snop  }
0x7: {  	_ = 	snop  }
__scs_overlays_trampoline_lowered:
0x8: {  	[smem:$0x3FAD] =	sst s0  }
0x9: {  	[smem:$0x3FAE] =	sst s1  }
0xa: {  	[smem:$0x3FAF] =	sst s2  }
0xb: {  	[smem:$0x3FB0] =	sst s3  }
0xc: {  	[smem:$0x3FB1] =	sst s4  }
0xd: {  	[smem:$0x3FB2] =	sst s5  }
0xe: {  	[smem:$0x3FB3] =	sst s6  }
0xf: {  	[smem:$0x3FB4] =	sst s7  }
0x10: {  	[smem:$0x3FB5] =	sst s8  }
0x11: {  	[smem:$0x3FB6] =	sst s9;
	s0 =	simm.s32 @!p0 $0x0  }
0x12: {  	s1 =	sld [smem:$0x3F9C];
	s0 =	simm.s32 @p0 $0x1  }
0x13: {  	[smem:$0x3FB7] =	sst s0;
	s0 =	simm.s32 @!p1 $0x0  }
0x14: {  	s2 =	sld [smem:$0x3F9B];
	s0 =	simm.s32 @p1 $0x1  }
0x15: {  	[smem:$0x3FB8] =	sst s0;
	s0 =	simm.s32 @!p2 $0x0  }
0x16: {  	s3 =	sld [smem:$0x3FDB];
	s0 =	simm.s32 @p2 $0x1  }
0x17: {  	s4 =	simm.s32 $0x1BF5;
	[smem:$0x3FBA] =	sst s0  }
0x18: {  	s0 =	sld [smem:$0x3F9D];
	_ =	swait.ge [sflag:s4], $0x0  }
0x19: {  	s7 =	sld [smem:$0x3F9E]  }
0x1a: {  	s8 =	sadd.s32 $0xFFFFE003, lr  }
0x1b: {  	s9 =	sadd.s32 $0xFFFFFEF7, lr;
	s5 =	simm.s32 $0xFFFFFFFF;
	p2 =	slt.u32 s8, $0xFFFFF086  }
0x1c: {  	p1 =	slt.u32 s9, $0xF7A;
	s5 =	simm.s32 @!p2 $0x0  }
0x1d: {  	s5 =	simm.s32 @p1 $0x1;
	p0 =	seq.s32 s7, s2  }
0x1e: {  	s7 =	smul.u32 @!p0 $0xF7A, s2;
	p2 =	seq.s32 @!p0 s5, $0x0  }
0x1f: {  	s9 =	smul.u32 $0xF7A, s1;
	s8 =	simm.s32 @!p0 $0x1BF5;
	p2 =	por !p2, p0  }
0x20: {  	[sflag:s8] =	ssyncset.s32 @!p0 $0xFFFFF086;
	s6 =	sadd.s32 @!p0 s3, s7;
	s7 =	simm.s32 @!p0 $0x108  }
0x21: {  	s3 =	sadd.s32 s3, s9;
	s6 =	sadd.s32 @!p0 $0x88, s6;
	s7 =	simm.s32 @p2 $0x1082  }
0x22: {  	[simem:s7], [sflag:s8] =	dma.local @!p0 [hbm:s6], $0xF7A  }
0x23: {  	s9 =	sor.u32 $0xD0000000, s2;
	s6 =	simm.s32 $0x108;
	_ =	swait.ge @!p0 [sflag:s8], $0x0  }
0x24: {  	s3 =	sadd.s32 $0x88, s3;
	s6 =	simm.s32 @!p1 $0x1082;
	[sflag:s4] =	ssyncset.s32 $0xFFFFF086  }
0x25: {  	[simem:s6], [sflag:s4] =	dma.local [hbm:s3], $0xF7A  }
0x26: {  	[smem:$0x3F9E] =	sst s1;
	(tag) =	ssettag s2;
	_ =	strace s9  }
0x27: {  	s1 =	sld [smem:$0x3FAE]  }
0x28: {  	s2 =	sld [smem:$0x3FAF]  }
0x29: {  	s4 =	sld [smem:$0x3FB1]  }
0x2a: {  	p0 =	seq.s32 s5, $0x0;
	s5 =	sld [smem:$0x3FB2]  }
0x2b: {  	s6 =	sld [smem:$0x3FB3]  }
0x2c: {  	s7 =	sld [smem:$0x3FB4]  }
0x2d: {  	s3 =	simm.s32 $0x108;
	s8 =	sld [smem:$0x3FB5]  }
0x2e: {  	s3 =	simm.s32 @!p0 $0x1082;
	s9 =	sld [smem:$0x3FB6]  }
0x2f: {  	lr =	sadd.s32 s0, s3;
	s0 =	sld [smem:$0x3FAD]  }
0x30: {  	s3 =	sld [smem:$0x3FB0]  }
0x31: {  	[smem:$0x3FB9] =	sst s10  }
0x32: {  	s10 =	sld [smem:$0x3FB7];
	_ =	sdelay $0x3  }
0x33: {  	p0 =	seq.s32 s10, $0x1;
	s10 =	sld [smem:$0x3FB9];
	_ =	sdelay $0x3  }
0x34: {  	[smem:$0x3FB9] =	sst s10  }
0x35: {  	s10 =	sld [smem:$0x3FB8];
	_ =	sdelay $0x3  }
0x36: {  	p1 =	seq.s32 s10, $0x1;
	s10 =	sld [smem:$0x3FB9];
	_ =	sdelay $0x3  }
0x37: {  	[smem:$0x3FB9] =	sst s10  }
0x38: {  	s10 =	sld [smem:$0x3FBA]  }
0x39: {  	_ = 	snop;
	(pc) =	sbr.ind lr, $3  }
0x3a: {  	_ = 	snop  }
0x3b: {  	_ = 	snop  }
0x3c: {  	p2 =	seq.s32 s10, $0x1;
	s10 =	sld [smem:$0x3FB9]  }
0x3d: {  	_ =	shalt  }
0x3e: {  	_ =	shalt  }
0x3f: {  	_ =	shalt  }
0x40: {  	_ =	shalt  }
0x41: {  	_ =	shalt  }
0x42: {  	_ =	shalt  }
0x43: {  	_ =	shalt  }
0x44: {  	_ =	shalt  }
0x45: {  	_ =	shalt  }
0x46: {  	_ =	shalt  }
0x47: {  	_ =	shalt  }
0x48: {  	_ =	shalt  }
0x49: {  	_ =	shalt  }
0x4a: {  	_ =	shalt  }
0x4b: {  	_ =	shalt  }
0x4c: {  	_ =	shalt  }
0x4d: {  	_ =	shalt  }
0x4e: {  	_ =	shalt  }
0x4f: {  	_ =	shalt  }
0x50: {  	_ =	shalt  }
0x51: {  	_ =	shalt  }
0x52: {  	_ =	shalt  }
0x53: {  	_ =	shalt  }
0x54: {  	_ =	shalt  }
0x55: {  	_ =	shalt  }
0x56: {  	_ =	shalt  }
0x57: {  	_ =	shalt  }
0x58: {  	_ =	shalt  }
0x59: {  	_ =	shalt  }
0x5a: {  	_ =	shalt  }
0x5b: {  	_ =	shalt  }
0x5c: {  	_ =	shalt  }
0x5d: {  	_ =	shalt  }
0x5e: {  	_ =	shalt  }
0x5f: {  	_ =	shalt  }
0x60: {  	_ =	shalt  }
0x61: {  	_ =	shalt  }
0x62: {  	_ =	shalt  }
0x63: {  	_ =	shalt  }
0x64: {  	_ =	shalt  }
0x65: {  	_ =	shalt  }
0x66: {  	_ =	shalt  }
0x67: {  	_ =	shalt  }
0x68: {  	_ =	shalt  }
0x69: {  	_ =	shalt  }
0x6a: {  	_ =	shalt  }
0x6b: {  	_ =	shalt  }
0x6c: {  	_ =	shalt  }
0x6d: {  	_ =	shalt  }
0x6e: {  	_ =	shalt  }
0x6f: {  	_ =	shalt  }
0x70: {  	_ =	shalt  }
0x71: {  	_ =	shalt  }
0x72: {  	_ =	shalt  }
0x73: {  	_ =	shalt  }
0x74: {  	_ =	shalt  }
0x75: {  	_ =	shalt  }
0x76: {  	_ =	shalt  }
0x77: {  	_ =	shalt  }
0x78: {  	_ =	shalt  }
0x79: {  	_ =	shalt  }
0x7a: {  	_ =	shalt  }
0x7b: {  	_ =	shalt  }
0x7c: {  	_ =	shalt  }
0x7d: {  	_ =	shalt  }
0x7e: {  	_ =	shalt  }
0x7f: {  	_ =	shalt  }
0x80: {  	_ =	shalt  }
0x81: {  	_ =	shalt  }
0x82: {  	_ =	shalt  }
0x83: {  	_ =	shalt  }
0x84: {  	_ =	shalt  }
0x85: {  	_ =	shalt  }
0x86: {  	_ =	shalt  }
0x87: {  	_ =	shalt  }
.Lfunc_end0:
.L_simem_size_0:
called_computation_lowered:
.L_overlay_start_0:
0x88: {  	s2 =	sld [smem:$0x3FD9]  }
0x89: {  	s3 =	sld [smem:$0x3FFE];
	_ =	sdelay $0x1  }
0x8a: {  	s1 =	srdreg.scid  }
0x8b: {  	s0 =	sand.u32 $0x1, s1  }
0x8c: {  	s17 =	sshll.u32 s0, $0xA;
	s2 =	sadd.s32 s3, s2  }
0x8d: {  	s2 =	sadd.s32 s2, s17  }
0x8e: {  	[smem:$0x3FC5] =	sst s2  }
0x8f: {  	_ = 	snop  }
0x90: {  	s2 =	sld [smem:$0x3FC7]  }
0x91: {  	s18 =	sld [smem:$0x3FD0];
	(tm) =	ssettm $0x1  }
0x92: {  	s4 =	sld [smem:$0x3FFB];
	_ =	sdelay $0x3  }
0x93: {  	_ =	strace s4  }
0x94: {  	s4 =	sld [smem:$0x3FFC];
	_ =	sdelay $0x3  }
0x95: {  	_ =	strace s4  }
0x96: {  	s4 =	sld [smem:$0x3FFD];
	_ =	sdelay $0x3  }
0x97: {  	_ =	strace s4  }
0x98: {  	_ =	strace $0x8FFFFFFF  }
0x99: {  	s19 =	sld [smem:$0x3FDB];
	_ =	sdelay $0x1  }
0x9a: {  	s5 =	simm.s32 $_scs_section_size  }
0x9b: {  	s6 =	simm.s32 $_size__tile_overlayer_lowered;
	s7 =	simm.s32 $_tile_overlayer_lowered  }
0x9c: {  	s22 =	simm.s32 $0x1BFF;
	s21 =	sshll.u32 s7, $0x1;
	s4 =	sadd.s32 s5, s19  }
0x9d: {  	s8 =	simm.s32 $0x0;
	s20 =	sshll.u32 s6, $0x1;
	s6 =	sadd.s32 s21, s4  }
0x9e: {  	[timem:s8], [sflag:s22] =	dma.local [hbm:s6], s20  }
0x9f: {  	_ =	swait.ge [sflag:s22], s20  }
0xa0: {  	s5 =	ssub.s32 $0x0, s20;
	[sflag:s22] =	ssyncset.done $0x0  }
0xa1: {  	[sflag:s22] =	ssyncadd.s32 s5;
	_ =	sdelay $0x1  }
0xa2: {  	s23 =	simm.s32 $0x1B8B  }
0xa3: {  	_ =	swait.ge [sflag:s23], $0x1  }
0xa4: {  	[sflag:s23] =	ssyncset.done $0x0  }
0xa5: {  	s25 =	simm.s32 $0x1B8E;
	s24 =	sld [smem:$0x3FFE];
	[sflag:s23] =	ssyncadd.s32 $0xFFFFFFFF  }
0xa6: {  	s26 =	simm.s32 $execute0_lowered;
	[smem:$0x3FD2] =	sst s25  }
0xa7: {  	s6 =	sshll.u32 s26, $0x1;
	_ =	strace $0x80000046;
	[dreg:$0x1] =	wrdreg $0xFFFFFFFF  }
0xa8: {  	s28 =	simm.s32 $_size_execute0_lowered;
	s4 =	sadd.s32 s4, s6;
	[dreg:$0x0] =	wrdreg $0x0  }
0xa9: {  	s6 =	sshll.u32 s28, $0x1;
	[dreg:$0x2] =	wrdreg s4  }
0xaa: {  	[dreg:$0x3] =	wrdreg s6  }
0xab: {  	[dreg:$0x4] =	wrdreg $0xC0  }
0xac: {  	_ =	task [dreg:s8], $0x5FFFF  }
0xad: {  	[dreg:$0x1] =	wrdreg $0xFFFFFFFF  }
0xae: {  	[dreg:$0x0] =	wrdreg $0x60  }
0xaf: {  	[dreg:$0x2] =	wrdreg s24  }
0xb0: {  	[dreg:$0x3] =	wrdreg s2  }
0xb1: {  	[dreg:$0x4] =	wrdreg s18  }
0xb2: {  	[dreg:$0x5] =	wrdreg $0x34000  }
0xb3: {  	[dreg:$0x6] =	wrdreg $0x9  }
0xb4: {  	_ =	task.clear_ibuf [dreg:s8], $0x7FFFF;
	_ =	strace $0x90000046  }
0xb5: {  	s29 =	simm.s32 $0x9;
	_ =	strace $0x80000048  }
0xb6: {  	_ =	swait.ge [sflag:s29], $0x1  }
0xb7: {  	[sflag:s29] =	ssyncadd.s32 $0xFFFFFFFF  }
0xb8: {  	_ =	strace $0x90000048  }
0xb9: {  	_ =	sfence  }
0xba: {  	s30 =	sld [smem:$0x0];
	_ =	sdelay $0x2  }
0xbb: {  	s31 =	sshll.u32 s1, $0xD;
	s1 =	sshrl.u32 s1, $0x2  }
0xbc: {  	s3 =	sand.u32 $0x4000, s31;
	s1 =	sadd.s32 s1, s30  }
0xbd: {  	s0 =	sor.u32 s3, s0;
	s1 =	sshll.u32 s1, $0x11  }
0xbe: {  	s0 =	sor.u32 s1, s0  }
0xbf: {  	s0 =	sadd.s32 $0x8F2B, s0  }
0xc0: {  	[sflag:s0] =	ssyncadd.remote.s32 $0x1  }
0xc1: {  	_ =	sfence.sel $0xFFFF  }
0xc2: {  	[dreg:$0x0] =	wrdreg $0xFFFFFFFF;
	(pc) =	sbr.abs _section_cstart, $3  }
0xc3: {  	[dreg:$0x1] =	wrdreg $0xFFFFFFFF  }
0xc4: {  	_ =	task.clear_ibuf [dreg:s8], $0x2FFFF;
	_ =	strace $0x9FFFFFFF  }
0xc5: {  	(tm) =	ssettm $0x7FFFFFFF  }
tec
execute0_lowered:
.L_overlay_start_1:
0x0: {  	(tag) =	ssettag $0x1  }
0x1: {  	s5 =	rddreg [dreg:$0x0]  }
0x2: {  	s9 =	rddreg [dreg:$0x1]  }
0x3: {  	s7 =	rddreg [dreg:$0x2]  }
0x4: {  	s2 =	rddreg [dreg:$0x3]  }
0x5: {  	s0 =	rddreg [dreg:$0x4]  }
0x6: {  	s4 =	srdreg.scid;
	s1 =	stileid.u32;
	s3 =	simm.s32 $0x0  }
0x7: {  	s12 =	simm.s32 $0x400;
	s13 =	simm.s32 $0x80;
	s14 =	simm.s32 $0x100  }
0x8: {  	s15 =	simm.s32 $0x180;
	s16 =	simm.s32 $0x200;
	s17 =	simm.s32 $0x280  }
0x9: {  	s18 =	simm.s32 $0x300;
	s19 =	simm.s32 $0x380;
	s20 =	simm.s32 $0x0  }
0xa: {  	s4 =	sand.u32 $0x1, s4;
	s6 =	smul.u32 $0x2800, s1;
	[smem:$0x7FF] =	sst s3  }
0xb: {  	s8 =	smul.u32 $0x28000, s4;
	_ =	strace $0x80000047;
	s10 =	ssub.s32 $0x2, s4  }
0xc: {  	s4 =	sadd.s32 $0x400, s5;
	s5 =	sadd.s32 $0x600, s5;
	s11 =	sshrl.u32 s10, $0x1  }
0xd: {  	s8 =	sadd.s32 s6, s8;
	s10 =	ssub.s32 s10, s11;
	s6 =	sadd.s32 s6, s2  }
0xe: {  	s11 =	simm.s32 $0x1;
	s31 =	sshrl.u32 s8, $0x3;
	s8 =	smax.u32 s10, $0x1  }
0xf: {  	s10 =	simm.s32 $0xC00;
	s7 =	sadd.s32 s7, s31;
	s9 =	sadd.s32 s31, s9  }
.LBB2_1:
0x10: {  	[tilespmem:s10], [sflag:$0x1] =	stream.linear.gather [hbm4b:s5+s3], $0x2800, $0x38;
	[tilespmem:$0x5C00] =	vst v63  }
0x11: {  	_ =	swait.ge [sflag:s11], $0x2800  }
0x12: {  	[sflag:s11] =	ssyncset.done $0x0  }
0x13: {  	[sflag:s11] =	ssyncadd.s32 $0xFFFFD800  }
0x14: {  	[spmem:s6] =	stream.linear.scatter [tilespmem:s10], [sflag:$0x1], $0x2800, $0x38;
	[tilespmem:$0x5C00] =	vst v63  }
0x15: {  	_ =	swait.ge [sflag:s11], $0x2800  }
0x16: {  	[sflag:s11] =	ssyncset.done $0x0  }
0x17: {  	[sflag:s11] =	ssyncadd.s32 $0xFFFFD800  }
0x18: {  	[tilespmem:s12], [sflag:$0x1] =	stream.linear.gather [hbm4b:s4+s3], $0x800, $0x38;
	[tilespmem:$0x5C00] =	vst v63  }
0x19: {  	_ =	swait.ge [sflag:s11], $0x800  }
0x1a: {  	[sflag:s11] =	ssyncset.done $0x0  }
0x1b: {  	[sflag:s11] =	ssyncadd.s32 $0xFFFFF800  }
0x1c: {  	s21 =	sadd.s32 $0x0, s9;
	[bflag:$0x0] =	sbarrier.arrive $0xFFFF  }
0x1d: {  	[tilespmem:s3], [sflag:$0x1] =	stream.linear.gather [hbm4b:s21+s3], $0x400, $0x38;
	[tilespmem:$0x5C00] =	vst v63  }
0x1e: {  	_ =	swait.ge [sflag:s11], $0x400  }
0x1f: {  	[sflag:s11] =	ssyncset.done $0x0  }
0x20: {  	[sflag:s11] =	ssyncadd.s32 $0xFFFFFC00  }
0x21: {  	[spmem:s2] =	stream.indirect.scatter.add.f32 [tilespmem:s12], [sflag:$0x1], $0x10, s3, s13, $0xb8;
	[tilespmem:$0x5C00] =	vst v63  }
0x22: {  	_ =	swait.ge [sflag:s11], $0x800  }
0x23: {  	[sflag:s11] =	ssyncset.done $0x0  }
0x24: {  	[sflag:s11] =	ssyncadd.s32 $0xFFFFF800  }
0x25: {  	[spmem:s2] =	stream.indirect.scatter.add.f32 [tilespmem:s12], [sflag:$0x1], $0x10, s13, s13, $0xb8;
	[tilespmem:$0x5C00] =	vst v63  }
0x26: {  	_ =	swait.ge [sflag:s11], $0x800  }
0x27: {  	[sflag:s11] =	ssyncset.done $0x0  }
0x28: {  	[sflag:s11] =	ssyncadd.s32 $0xFFFFF800  }
0x29: {  	[spmem:s2] =	stream.indirect.scatter.add.f32 [tilespmem:s12], [sflag:$0x1], $0x10, s14, s13, $0xb8;
	[tilespmem:$0x5C00] =	vst v63  }
0x2a: {  	_ =	swait.ge [sflag:s11], $0x800  }
0x2b: {  	[sflag:s11] =	ssyncset.done $0x0  }
0x2c: {  	[sflag:s11] =	ssyncadd.s32 $0xFFFFF800  }
0x2d: {  	[spmem:s2] =	stream.indirect.scatter.add.f32 [tilespmem:s12], [sflag:$0x1], $0x10, s15, s13, $0xb8;
	[tilespmem:$0x5C00] =	vst v63  }
0x2e: {  	_ =	swait.ge [sflag:s11], $0x800  }
0x2f: {  	[sflag:s11] =	ssyncset.done $0x0  }
0x30: {  	[sflag:s11] =	ssyncadd.s32 $0xFFFFF800  }
0x31: {  	[spmem:s2] =	stream.indirect.scatter.add.f32 [tilespmem:s12], [sflag:$0x1], $0x10, s16, s13, $0xb8;
	[tilespmem:$0x5C00] =	vst v63  }
0x32: {  	_ =	swait.ge [sflag:s11], $0x800  }
0x33: {  	[sflag:s11] =	ssyncset.done $0x0  }
0x34: {  	[sflag:s11] =	ssyncadd.s32 $0xFFFFF800  }
0x35: {  	[spmem:s2] =	stream.indirect.scatter.add.f32 [tilespmem:s12], [sflag:$0x1], $0x10, s17, s13, $0xb8;
	[tilespmem:$0x5C00] =	vst v63  }
0x36: {  	_ =	swait.ge [sflag:s11], $0x800  }
0x37: {  	[sflag:s11] =	ssyncset.done $0x0  }
0x38: {  	[sflag:s11] =	ssyncadd.s32 $0xFFFFF800  }
0x39: {  	[spmem:s2] =	stream.indirect.scatter.add.f32 [tilespmem:s12], [sflag:$0x1], $0x10, s18, s13, $0xb8;
	[tilespmem:$0x5C00] =	vst v63  }
0x3a: {  	_ =	swait.ge [sflag:s11], $0x800  }
0x3b: {  	[sflag:s11] =	ssyncset.done $0x0  }
0x3c: {  	[sflag:s11] =	ssyncadd.s32 $0xFFFFF800  }
0x3d: {  	[spmem:s2] =	stream.indirect.scatter.add.f32 [tilespmem:s12], [sflag:$0x1], $0x10, s19, s13, $0xb8;
	[tilespmem:$0x5C00] =	vst v63  }
0x3e: {  	_ =	swait.ge [sflag:s11], $0x800  }
0x3f: {  	s23 =	simm.s32 $0x100;
	s21 =	simm.s32 $0x80;
	[sflag:s11] =	ssyncset.done $0x0  }
.LBB2_2:
0x40: {  	s24 =	sadd.s32 s21, s9  }
0x41: {  	[sflag:s11] =	ssyncadd.s32 $0xFFFFF800;
	s21 =	smov.u32 s23;
	s22 =	sadd.s32 $0x80, s23  }
0x42: {  	[tilespmem:s3], [sflag:$0x1] =	stream.linear.gather [hbm4b:s24+s3], $0x400, $0x38;
	[tilespmem:$0x5C00] =	vst v63  }
0x43: {  	p0 =	sne.s32 s23, $0x480;
	_ =	swait.ge [sflag:s11], $0x400  }
0x44: {  	[sflag:s11] =	ssyncset.done $0x0  }
0x45: {  	[sflag:s11] =	ssyncadd.s32 $0xFFFFFC00  }
0x46: {  	[spmem:s2] =	stream.indirect.scatter.add.f32 [tilespmem:s12], [sflag:$0x1], $0x10, s3, s13, $0xb8;
	[tilespmem:$0x5C00] =	vst v63  }
0x47: {  	_ =	swait.ge [sflag:s11], $0x800  }
0x48: {  	[sflag:s11] =	ssyncset.done $0x0  }
0x49: {  	[sflag:s11] =	ssyncadd.s32 $0xFFFFF800  }
0x4a: {  	[spmem:s2] =	stream.indirect.scatter.add.f32 [tilespmem:s12], [sflag:$0x1], $0x10, s13, s13, $0xb8;
	[tilespmem:$0x5C00] =	vst v63  }
0x4b: {  	_ =	swait.ge [sflag:s11], $0x800  }
0x4c: {  	[sflag:s11] =	ssyncset.done $0x0  }
0x4d: {  	[sflag:s11] =	ssyncadd.s32 $0xFFFFF800  }
0x4e: {  	[spmem:s2] =	stream.indirect.scatter.add.f32 [tilespmem:s12], [sflag:$0x1], $0x10, s14, s13, $0xb8;
	[tilespmem:$0x5C00] =	vst v63  }
0x4f: {  	_ =	swait.ge [sflag:s11], $0x800  }
0x50: {  	[sflag:s11] =	ssyncset.done $0x0  }
0x51: {  	[sflag:s11] =	ssyncadd.s32 $0xFFFFF800  }
0x52: {  	[spmem:s2] =	stream.indirect.scatter.add.f32 [tilespmem:s12], [sflag:$0x1], $0x10, s15, s13, $0xb8;
	[tilespmem:$0x5C00] =	vst v63  }
0x53: {  	_ =	swait.ge [sflag:s11], $0x800  }
0x54: {  	[sflag:s11] =	ssyncset.done $0x0  }
0x55: {  	[sflag:s11] =	ssyncadd.s32 $0xFFFFF800  }
0x56: {  	[spmem:s2] =	stream.indirect.scatter.add.f32 [tilespmem:s12], [sflag:$0x1], $0x10, s16, s13, $0xb8;
	[tilespmem:$0x5C00] =	vst v63  }
0x57: {  	_ =	swait.ge [sflag:s11], $0x800  }
0x58: {  	[sflag:s11] =	ssyncset.done $0x0  }
0x59: {  	[sflag:s11] =	ssyncadd.s32 $0xFFFFF800  }
0x5a: {  	[spmem:s2] =	stream.indirect.scatter.add.f32 [tilespmem:s12], [sflag:$0x1], $0x10, s17, s13, $0xb8;
	[tilespmem:$0x5C00] =	vst v63  }
0x5b: {  	_ =	swait.ge [sflag:s11], $0x800  }
0x5c: {  	[sflag:s11] =	ssyncset.done $0x0  }
0x5d: {  	[sflag:s11] =	ssyncadd.s32 $0xFFFFF800  }
0x5e: {  	[spmem:s2] =	stream.indirect.scatter.add.f32 [tilespmem:s12], [sflag:$0x1], $0x10, s18, s13, $0xb8;
	[tilespmem:$0x5C00] =	vst v63  }
0x5f: {  	_ =	swait.ge [sflag:s11], $0x800  }
.Ltmp0:
0x60: {  	[sflag:s11] =	ssyncset.done $0x0;
	(pc) =	sbr.rel @p0 .LBB2_2-.Ltmp0, $4  }
0x61: {  	[sflag:s11] =	ssyncadd.s32 $0xFFFFF800  }
0x62: {  	[spmem:s2] =	stream.indirect.scatter.add.f32 [tilespmem:s12], [sflag:$0x1], $0x10, s19, s13, $0xb8;
	[tilespmem:$0x5C00] =	vst v63  }
0x63: {  	_ =	swait.ge [sflag:s11], $0x800  }
0x64: {  	s23 =	smov.u32 s22;
	[sflag:s11] =	ssyncset.done $0x0  }
0x65: {  	s21 =	sadd.s32 s21, s9;
	[sflag:s11] =	ssyncadd.s32 $0xFFFFF800  }
0x66: {  	[tilespmem:s3], [sflag:$0x1] =	stream.linear.gather [hbm4b:s21+s3], $0x400, $0x38;
	[tilespmem:$0x5C00] =	vst v63  }
0x67: {  	_ =	swait.ge [sflag:s11], $0x400  }
0x68: {  	[sflag:s11] =	ssyncset.done $0x0  }
0x69: {  	[sflag:s11] =	ssyncadd.s32 $0xFFFFFC00  }
0x6a: {  	[spmem:s2] =	stream.indirect.scatter.add.f32 [tilespmem:s12], [sflag:$0x1], $0x10, s3, s13, $0xb8;
	[tilespmem:$0x5C00] =	vst v63  }
0x6b: {  	_ =	swait.ge [sflag:s11], $0x800  }
0x6c: {  	[sflag:s11] =	ssyncset.done $0x0  }
0x6d: {  	[sflag:s11] =	ssyncadd.s32 $0xFFFFF800  }
0x6e: {  	[spmem:s2] =	stream.indirect.scatter.add.f32 [tilespmem:s12], [sflag:$0x1], $0x10, s13, s13, $0xb8;
	[tilespmem:$0x5C00] =	vst v63  }
0x6f: {  	_ =	swait.ge [sflag:s11], $0x800  }
0x70: {  	[sflag:s11] =	ssyncset.done $0x0  }
0x71: {  	[sflag:s11] =	ssyncadd.s32 $0xFFFFF800  }
0x72: {  	[spmem:s2] =	stream.indirect.scatter.add.f32 [tilespmem:s12], [sflag:$0x1], $0x10, s14, s13, $0xb8;
	[tilespmem:$0x5C00] =	vst v63  }
0x73: {  	_ =	swait.ge [sflag:s11], $0x800  }
0x74: {  	[sflag:s11] =	ssyncset.done $0x0  }
0x75: {  	[sflag:s11] =	ssyncadd.s32 $0xFFFFF800  }
0x76: {  	[spmem:s2] =	stream.indirect.scatter.add.f32 [tilespmem:s12], [sflag:$0x1], $0x10, s15, s13, $0xb8;
	[tilespmem:$0x5C00] =	vst v63  }
0x77: {  	_ =	swait.ge [sflag:s11], $0x800  }
0x78: {  	[sflag:s11] =	ssyncset.done $0x0  }
0x79: {  	[sflag:s11] =	ssyncadd.s32 $0xFFFFF800  }
0x7a: {  	[spmem:s2] =	stream.indirect.scatter.add.f32 [tilespmem:s12], [sflag:$0x1], $0x10, s16, s13, $0xb8;
	[tilespmem:$0x5C00] =	vst v63  }
0x7b: {  	_ =	swait.ge [sflag:s11], $0x800  }
0x7c: {  	[sflag:s11] =	ssyncset.done $0x0  }
0x7d: {  	[sflag:s11] =	ssyncadd.s32 $0xFFFFF800  }
0x7e: {  	[spmem:s2] =	stream.indirect.scatter.add.f32 [tilespmem:s12], [sflag:$0x1], $0x10, s17, s13, $0xb8;
	[tilespmem:$0x5C00] =	vst v63  }
0x7f: {  	_ =	swait.ge [sflag:s11], $0x800  }
0x80: {  	[sflag:s11] =	ssyncset.done $0x0  }
0x81: {  	[sflag:s11] =	ssyncadd.s32 $0xFFFFF800  }
0x82: {  	[spmem:s2] =	stream.indirect.scatter.add.f32 [tilespmem:s12], [sflag:$0x1], $0x10, s18, s13, $0xb8;
	[tilespmem:$0x5C00] =	vst v63  }
0x83: {  	_ =	swait.ge [sflag:s11], $0x800  }
0x84: {  	[sflag:s11] =	ssyncset.done $0x0  }
0x85: {  	[sflag:s11] =	ssyncadd.s32 $0xFFFFF800  }
0x86: {  	[spmem:s2] =	stream.indirect.scatter.add.f32 [tilespmem:s12], [sflag:$0x1], $0x10, s19, s13, $0xb8;
	[tilespmem:$0x5C00] =	vst v63  }
0x87: {  	_ =	swait.ge [sflag:s11], $0x800  }
0x88: {  	[sflag:s11] =	ssyncset.done $0x0  }
0x89: {  	[sflag:s11] =	ssyncadd.s32 $0xFFFFF800  }
0x8a: {  	[bflag:$0x0] =	sbarrier.arrive $0xFFFF  }
0x8b: {  	[tilespmem:s10], [sflag:$0x1] =	stream.linear.gather [spmem:s6], $0x2800, $0x38;
	[tilespmem:$0x5C00] =	vst v63  }
0x8c: {  	s20 =	sadd.s32 $0x1, s20;
	_ =	swait.ge [sflag:s11], $0x2800  }
0x8d: {  	p0 =	sne.s32 s20, s8;
	[sflag:s11] =	ssyncset.done $0x0  }
.Ltmp1:
0x8e: {  	[sflag:s11] =	ssyncadd.s32 $0xFFFFD800;
	(pc) =	sbr.rel @p0 .LBB2_1-.Ltmp1, $4  }
0x8f: {  	[hbm4b:s7+s3] =	stream.linear.scatter [tilespmem:s10], [sflag:$0x1], $0x2800, $0x38;
	[tilespmem:$0x5C00] =	vst v63  }
0x90: {  	_ =	swait.ge [sflag:s11], $0x2800  }
0x91: {  	[sflag:s11] =	ssyncset.done $0x0  }
0x92: {  	[sflag:s11] =	ssyncadd.s32 $0xFFFFD800  }
0x93: {  	_ =	sfence.sel $0x180000  }
0x94: {  	[bflag:$0x0] =	sbarrier.arrive $0xFFFF  }
0x95: {  	p0 =	sne.s32 s1, $0x0;
	_ =	strace $0x90000047  }
0x96: {  	s0 =	sadd.s32 @!p0 $0x100000, s0;
	[bflag:$0x2] =	sbarrier.arrive $0xFFFF  }
0x97: {  	[sflag:s0] =	ssyncadd.tile.s32 @!p0 $0x1;
	_ =	shalt  }
.Lfunc_end2:
_tile_overlayer_lowered:
.L_overlay_start_2:
0x98: {  	(tag) =	ssettag $0x2  }
0x99: {  	s0 =	rddreg [dreg:$0x0];
	s2 =	stileid.u32  }
0x9a: {  	s1 =	rddreg [dreg:$0x1];
	p0 =	sne.s32 s2, $0x0  }
0x9b: {  	s3 =	rddreg [dreg:$0x2];
	[bflag:$0x3] =	sbarrier.arrive $0xFFFF;
	s2 =	simm.s32 @!p0 $0x1C01  }
0x9c: {  	[timem:s3], [sflag:s2] =	dma.local @!p0 [hbm:s0], s1  }
0x9d: {  	s0 =	simm.s32 @!p0 $0x1  }
0x9e: {  	_ =	swait.ge @!p0 [sflag:s0], s1  }
0x9f: {  	s1 =	ssub.s32 @!p0 $0x0, s1;
	[sflag:s0] =	ssyncset.done @!p0 $0x0  }
0xa0: {  	[sflag:s0] =	ssyncadd.s32 @!p0 s1  }
0xa1: {  	[bflag:$0x3] =	sbarrier.arrive $0xFFFF  }
0xa2: {  	_ =	shalt  }

</sc_bundles>
